<compile_context>
chip_gen: v7x
topology: tpu7x:2x2x1
jax: 0.10.2.dev20260603
libtpu: 0.0.44.dev20260713+nightly
codegen_flags: <defaults>
</compile_context>

<pallas_src>
import functools
import jax
import jax.numpy as jnp
from jax import lax
from jax.experimental import pallas as pl
from jax.experimental.pallas import tpu as pltpu
from jax.experimental.pallas import tpu_sc as plsc

_MESH = plsc.VectorSubcoreMesh(core_axis_name="c", subcore_axis_name="s")


@functools.partial(
    pl.kernel,
    out_type=jax.ShapeDtypeStruct((1, 128), jnp.float32),
    mesh=_MESH,
    scratch_types=[
        pltpu.VMEM((1,), jnp.int32),
        pltpu.VMEM((1, 128), jnp.float32),
        pltpu.SemaphoreType.DMA,
    ],
)
def _sc_gather(idx_hbm, table_hbm, out_hbm, idx_v, rows_v, sem):
    wid = lax.axis_index("s") * 2 + lax.axis_index("c")

    @pl.when(wid == 0)
    def _():
        pltpu.sync_copy(idx_hbm, idx_v)
        pltpu.async_copy(table_hbm.at[idx_v], rows_v, sem).wait()
        pltpu.sync_copy(rows_v, out_hbm)


def _tc_body(row_ref, tag_ref, w1_ref, b1_ref, w2_ref, b2_ref, out_ref):
    row = row_ref[0:1]
    tag = tag_ref[...]
    cat = jnp.concatenate([row, tag], axis=1)
    z1 = lax.dot_general(
        cat, w1_ref[...], (((1,), (1,)), ((), ())),
        preferred_element_type=jnp.float32,
    ) + b1_ref[...]
    a1 = jnp.maximum(z1, 0.0)
    z2 = lax.dot_general(
        a1, w2_ref[...], (((1,), (1,)), ((), ())),
        preferred_element_type=jnp.float32,
    ) + b2_ref[...]
    m = jnp.max(z2, axis=1, keepdims=True)
    s = jnp.sum(jnp.exp(z2 - m), axis=1, keepdims=True)
    out_ref[...] = z2 - m - jnp.log(s)


@jax.jit
def kernel(word_embed_idx, pre_tag_embed, table, W1, b1, W2, b2):
    row = _sc_gather(word_embed_idx.astype(jnp.int32), table)
    return pl.pallas_call(
        _tc_body,
        out_shape=jax.ShapeDtypeStruct((1, 64), jnp.float32),
    )(row, pre_tag_embed, W1, b1.reshape(1, -1), W2, b2.reshape(1, -1))

# --- scband reference (transcript-rebuilt; emitter-appended) ---
"""Pipeline reference for scband-model1-28544352649344 (READ-ONLY COPY).

The authoritative reference and input builder live on the scoring server;
editing this copy changes nothing except your own understanding.
"""

import jax, jax.numpy as jnp
import numpy as np

VOCAB = 1000000
EMBED_DIM = 128
TAG_SIZE = 64
HIDDEN = 256


def setup_inputs(seed: int = 0) -> dict:
    key = jax.random.key(seed)
    k1, k2, k3, k4, k5, k6, k7, k8 = jax.random.split(key, 8)
    word_embed_idx = jax.random.randint(k1, (1,), 0, VOCAB, dtype=jnp.int64) if jax.config.jax_enable_x64 else jax.random.randint(k1, (1,), 0, VOCAB, dtype=jnp.int32)
    pre_tag_embed = jax.random.normal(k2, (1, TAG_SIZE), dtype=jnp.float32)
    table = jax.random.normal(k3, (VOCAB, EMBED_DIM), dtype=jnp.float32)
    in1 = TAG_SIZE + EMBED_DIM
    W1 = jax.random.normal(k4, (HIDDEN, in1), dtype=jnp.float32) * (1.0 / np.sqrt(in1))
    b1 = jax.random.normal(k5, (HIDDEN,), dtype=jnp.float32) * 0.01
    W2 = jax.random.normal(k6, (TAG_SIZE, HIDDEN), dtype=jnp.float32) * (1.0 / np.sqrt(HIDDEN))
    b2 = jax.random.normal(k7, (TAG_SIZE,), dtype=jnp.float32) * 0.01
    return {
        "word_embed_idx": word_embed_idx,
        "pre_tag_embed": pre_tag_embed,
        "table": table,
        "W1": W1,
        "b1": b1,
        "W2": W2,
        "b2": b2,
    }


def reference(word_embed_idx, pre_tag_embed, table, W1, b1, W2, b2):
    # embedding lookup -> view (1, -1)
    embeds_vocab = jnp.take(table, word_embed_idx, axis=0).reshape(1, -1)
    cat_embed = jnp.concatenate((embeds_vocab, pre_tag_embed), axis=1)
    z1 = cat_embed @ W1.T + b1
    a1 = jax.nn.relu(z1)
    z2 = a1 @ W2.T + b2
    probabilities = jax.nn.log_softmax(z2, axis=1)
    return probabilities

if __name__ == "__main__":
    import jax
    _d = setup_inputs()
    print(jax.jit(kernel)(*tuple(_d.values())))

</pallas_src>

<mosaic_0001>
#map = affine_map<(d0, d1) -> (0)>
#map1 = affine_map<(d0, d1) -> (0, 0)>
module attributes {stable_mosaic.version = 14 : i64} {
  func.func @_sc_gather(%arg0: i32, %arg1: i32, %arg2: memref<1xi32, #tpu.memory_space<hbm>>, %arg3: memref<1000000x128xf32, #tpu.memory_space<hbm>>, %arg4: memref<1x128xf32, #tpu.memory_space<hbm>>, %arg5: memref<1xi32, #tpu.memory_space<vmem>>, %arg6: memref<1x128xf32, #tpu.memory_space<vmem>>, %arg7: memref<!tpu.dma_semaphore, #tpu.memory_space<semaphore_mem>>) attributes {dimension_semantics = [#tpu.dimension_semantics<core_parallel>, #tpu.dimension_semantics<subcore_parallel>], iteration_bounds = array<i64: 2, 16>, scalar_prefetch = 0 : i64, scratch_operands = 3 : i64, tpu.core_type = #tpu.core_type<sc_vector_subcore>, window_params = [{transform_indices = #map}, {transform_indices = #map1}, {transform_indices = #map1}]} {
    %mul3A = arith.constant 2 : i32
    %mul3A_0 = arith.muli %arg1, %mul3A : i32
    %add3A = arith.addi %mul3A_0, %arg0 : i32
    %eq3A = arith.constant 0 : i32
    %eq3A_1 = arith.cmpi eq, %add3A, %eq3A : i32
    %convert_element_type3A = arith.extui %eq3A_1 : i1 to i32
    %cond3A = arith.constant 0 : i32
    %cond3A_2 = arith.cmpi ne, %convert_element_type3A, %cond3A : i32
    scf.if %cond3A_2 {
      "tpu.region"() ({
        %run_scoped3A = tpu.sem_alloc : memref<!tpu.dma_semaphore, #tpu.memory_space<semaphore_mem>>
        tpu.enqueue_dma source(%arg2 : memref<1xi32, #tpu.memory_space<hbm>>) target(%arg5 : memref<1xi32, #tpu.memory_space<vmem>>) target_semaphore(%run_scoped3A : memref<!tpu.dma_semaphore, #tpu.memory_space<semaphore_mem>>)
        tpu.wait_dma2 semaphore(%run_scoped3A : memref<!tpu.dma_semaphore, #tpu.memory_space<semaphore_mem>>) src(%arg2 : memref<1xi32, #tpu.memory_space<hbm>>) dst(%arg5 : memref<1xi32, #tpu.memory_space<vmem>>)
        tpu.yield
      }) : () -> ()
      %dma_start3A = arith.constant 0 : i32
      %dma_start3A_3 = arith.constant 0 : i32
      %dma_start3A_4 = tpu.memref_slice %arg3[%dma_start3A, %dma_start3A_3] : memref<1000000x128xf32, #tpu.memory_space<hbm>> -> memref<1000000x128xf32, #tpu.memory_space<hbm>>
      tpu.enqueue_indirect_dma source(%dma_start3A_4 : memref<1000000x128xf32, #tpu.memory_space<hbm>>) target(%arg6 : memref<1x128xf32, #tpu.memory_space<vmem>>) offsets(%arg5 : memref<1xi32, #tpu.memory_space<vmem>>) semaphore(%arg7 : memref<!tpu.dma_semaphore, #tpu.memory_space<semaphore_mem>>)
      %dma_wait3A = arith.constant 0 : i32
      %dma_wait3A_5 = arith.constant 0 : i32
      %dma_wait3A_6 = tpu.memref_slice %arg3[%dma_wait3A, %dma_wait3A_5] : memref<1000000x128xf32, #tpu.memory_space<hbm>> -> memref<1000000x128xf32, #tpu.memory_space<hbm>>
      tpu.wait_indirect_dma semaphore(%arg7 : memref<!tpu.dma_semaphore, #tpu.memory_space<semaphore_mem>>) src(%dma_wait3A_6 : memref<1000000x128xf32, #tpu.memory_space<hbm>>) dst(%arg6 : memref<1x128xf32, #tpu.memory_space<vmem>>)
      "tpu.region"() ({
        %run_scoped3A = tpu.sem_alloc : memref<!tpu.dma_semaphore, #tpu.memory_space<semaphore_mem>>
        tpu.enqueue_dma source(%arg6 : memref<1x128xf32, #tpu.memory_space<vmem>>) target(%arg4 : memref<1x128xf32, #tpu.memory_space<hbm>>) target_semaphore(%run_scoped3A : memref<!tpu.dma_semaphore, #tpu.memory_space<semaphore_mem>>)
        tpu.wait_dma2 semaphore(%run_scoped3A : memref<!tpu.dma_semaphore, #tpu.memory_space<semaphore_mem>>) src(%arg6 : memref<1x128xf32, #tpu.memory_space<vmem>>) dst(%arg4 : memref<1x128xf32, #tpu.memory_space<hbm>>)
        tpu.yield
      }) : () -> ()
    } else {
    }
    return
  }
}

module attributes {stable_mosaic.version = 14 : i64} {
  func.func @_tc_body(%arg0: memref<1x128xf32, #tpu.memory_space<vmem>>, %arg1: memref<1x64xf32, #tpu.memory_space<vmem>>, %arg2: memref<256x192xf32, #tpu.memory_space<vmem>>, %arg3: memref<1x256xf32, #tpu.memory_space<vmem>>, %arg4: memref<64x256xf32, #tpu.memory_space<vmem>>, %arg5: memref<1x64xf32, #tpu.memory_space<vmem>>, %arg6: memref<1x64xf32, #tpu.memory_space<vmem>>) attributes {dimension_semantics = [], scalar_prefetch = 0 : i64, scratch_operands = 0 : i64, tpu.core_type = #tpu.core_type<tc>} {
    %get3A = arith.constant 0 : index
    %get3A_0 = arith.constant 0 : index
    %get3A_1 = vector.load %arg0[%get3A, %get3A_0] : memref<1x128xf32, #tpu.memory_space<vmem>>, vector<1x128xf32>
    %get3A_2 = arith.constant 0 : index
    %get3A_3 = arith.constant 0 : index
    %get3A_4 = vector.load %arg1[%get3A_2, %get3A_3] : memref<1x64xf32, #tpu.memory_space<vmem>>, vector<1x64xf32>
    %concatenate3A = tpu.concatenate %get3A_1, %get3A_4 in 1 : vector<1x128xf32>, vector<1x64xf32> -> vector<1x192xf32>
    %get3A_5 = arith.constant 0 : index
    %get3A_6 = arith.constant 0 : index
    %get3A_7 = vector.load %arg2[%get3A_5, %get3A_6] : memref<256x192xf32, #tpu.memory_space<vmem>>, vector<256x192xf32>
    %dot_general3A = arith.constant dense<0.000000e+00> : vector<1x256xf32>
    %dot_general3A_8 = tpu.matmul %concatenate3A, %get3A_7, %dot_general3A {dimension_numbers = #tpu.dot_dimension_numbers<[1], [1], [0], [0], [0, 0, 1, 0], [], []>, transpose_lhs_hint = false} : vector<1x192xf32>, vector<256x192xf32>, vector<1x256xf32> -> vector<1x256xf32>
    %get3A_9 = arith.constant 0 : index
    %get3A_10 = arith.constant 0 : index
    %get3A_11 = vector.load %arg3[%get3A_9, %get3A_10] : memref<1x256xf32, #tpu.memory_space<vmem>>, vector<1x256xf32>
    %add3A = arith.addf %dot_general3A_8, %get3A_11 : vector<1x256xf32>
    %max3A = arith.constant 0.000000e+00 : f32
    %max3A_12 = vector.broadcast %max3A : f32 to vector<1x256xf32>
    %max3A_13 = arith.maximumf %add3A, %max3A_12 : vector<1x256xf32>
    %get3A_14 = arith.constant 0 : index
    %get3A_15 = arith.constant 0 : index
    %get3A_16 = vector.load %arg4[%get3A_14, %get3A_15] : memref<64x256xf32, #tpu.memory_space<vmem>>, vector<64x256xf32>
    %dot_general3A_17 = arith.constant dense<0.000000e+00> : vector<1x64xf32>
    %dot_general3A_18 = tpu.matmul %max3A_13, %get3A_16, %dot_general3A_17 {dimension_numbers = #tpu.dot_dimension_numbers<[1], [1], [0], [0], [0, 0, 1, 0], [], []>, transpose_lhs_hint = false} : vector<1x256xf32>, vector<64x256xf32>, vector<1x64xf32> -> vector<1x64xf32>
    %get3A_19 = arith.constant 0 : index
    %get3A_20 = arith.constant 0 : index
    %get3A_21 = vector.load %arg5[%get3A_19, %get3A_20] : memref<1x64xf32, #tpu.memory_space<vmem>>, vector<1x64xf32>
    %add3A_22 = arith.addf %dot_general3A_18, %get3A_21 : vector<1x64xf32>
    %reduce_max3A = arith.constant dense<0xFF800000> : vector<1xf32>
    %reduce_max3A_23 = vector.multi_reduction <maximumf>, %add3A_22, %reduce_max3A [1] : vector<1x64xf32> to vector<1xf32>
    %broadcast_in_dim3A = vector.shape_cast %reduce_max3A_23 : vector<1xf32> to vector<1x1xf32>
    %sub3A = vector.broadcast %broadcast_in_dim3A : vector<1x1xf32> to vector<1x64xf32>
    %sub3A_24 = arith.subf %add3A_22, %sub3A : vector<1x64xf32>
    %exp3A = math.exp %sub3A_24 : vector<1x64xf32>
    %reduce_sum3A = arith.constant dense<0.000000e+00> : vector<1xf32>
    %reduce_sum3A_25 = vector.multi_reduction <add>, %exp3A, %reduce_sum3A [1] : vector<1x64xf32> to vector<1xf32>
    %broadcast_in_dim3A_26 = vector.shape_cast %reduce_sum3A_25 : vector<1xf32> to vector<1x1xf32>
    %sub3A_27 = vector.broadcast %broadcast_in_dim3A : vector<1x1xf32> to vector<1x64xf32>
    %sub3A_28 = arith.subf %add3A_22, %sub3A_27 : vector<1x64xf32>
    %log3A = math.log %broadcast_in_dim3A_26 : vector<1x1xf32>
    %sub3A_29 = vector.broadcast %log3A : vector<1x1xf32> to vector<1x64xf32>
    %sub3A_30 = arith.subf %sub3A_28, %sub3A_29 : vector<1x64xf32>
    %swap3A = arith.constant 0 : index
    %swap3A_31 = arith.constant 0 : index
    %swap3A_32 = vector.load %arg6[%swap3A, %swap3A_31] : memref<1x64xf32, #tpu.memory_space<vmem>>, vector<1x64xf32>
    tpu.vector_store %arg6[%swap3A, %swap3A_31], %sub3A_30 {strides = array<i32>} : memref<1x64xf32, #tpu.memory_space<vmem>>, vector<1x64xf32>,
    return
  }
}

</mosaic_0001>

<sc_bundles>
// kernel: kernel.4.cloned.1.call-start
scs
__scs_entry_jumppad:
0x0: {  	(pc) =	sbr.rel $0x88, $3  }
0x1: {  	(tag) =	ssettag $0x0;
	lr =	simm.s32 $0x1  }
0x2: {  	[smem:$0x3F9A] =	sst lr;
	_ =	strace $0xD0000000  }
0x3: {  	_ = 	snop  }
0x4: {  	_ = 	snop  }
0x5: {  	_ = 	snop  }
0x6: {  	_ = 	snop  }
0x7: {  	_ = 	snop  }
__scs_overlays_trampoline_lowered:
0x8: {  	[smem:$0x3FA9] =	sst s0  }
0x9: {  	[smem:$0x3FAA] =	sst s1  }
0xa: {  	[smem:$0x3FAB] =	sst s2  }
0xb: {  	[smem:$0x3FAC] =	sst s3  }
0xc: {  	[smem:$0x3FAD] =	sst s4  }
0xd: {  	[smem:$0x3FAE] =	sst s5  }
0xe: {  	[smem:$0x3FAF] =	sst s6  }
0xf: {  	[smem:$0x3FB0] =	sst s7  }
0x10: {  	[smem:$0x3FB1] =	sst s8  }
0x11: {  	[smem:$0x3FB2] =	sst s9;
	s0 =	simm.s32 @!p0 $0x0  }
0x12: {  	s1 =	sld [smem:$0x3F98];
	s0 =	simm.s32 @p0 $0x1  }
0x13: {  	[smem:$0x3FB3] =	sst s0;
	s0 =	simm.s32 @!p1 $0x0  }
0x14: {  	s2 =	sld [smem:$0x3F97];
	s0 =	simm.s32 @p1 $0x1  }
0x15: {  	[smem:$0x3FB4] =	sst s0;
	s0 =	simm.s32 @!p2 $0x0  }
0x16: {  	s3 =	sld [smem:$0x3FDB];
	s0 =	simm.s32 @p2 $0x1  }
0x17: {  	s4 =	simm.s32 $0x1BF5;
	[smem:$0x3FB6] =	sst s0  }
0x18: {  	s0 =	sld [smem:$0x3F99];
	_ =	swait.ge [sflag:s4], $0x0  }
0x19: {  	s7 =	sld [smem:$0x3F9A]  }
0x1a: {  	s8 =	sadd.s32 $0xFFFFE003, lr  }
0x1b: {  	s9 =	sadd.s32 $0xFFFFFEF7, lr;
	s5 =	simm.s32 $0xFFFFFFFF;
	p2 =	slt.u32 s8, $0xFFFFF086  }
0x1c: {  	p1 =	slt.u32 s9, $0xF7A;
	s5 =	simm.s32 @!p2 $0x0  }
0x1d: {  	s5 =	simm.s32 @p1 $0x1;
	p0 =	seq.s32 s7, s2  }
0x1e: {  	s7 =	smul.u32 @!p0 $0xF7A, s2;
	p2 =	seq.s32 @!p0 s5, $0x0  }
0x1f: {  	s9 =	smul.u32 $0xF7A, s1;
	s8 =	simm.s32 @!p0 $0x1BF5;
	p2 =	por !p2, p0  }
0x20: {  	[sflag:s8] =	ssyncset.s32 @!p0 $0xFFFFF086;
	s6 =	sadd.s32 @!p0 s3, s7;
	s7 =	simm.s32 @!p0 $0x108  }
0x21: {  	s3 =	sadd.s32 s3, s9;
	s6 =	sadd.s32 @!p0 $0x88, s6;
	s7 =	simm.s32 @p2 $0x1082  }
0x22: {  	[simem:s7], [sflag:s8] =	dma.local @!p0 [hbm:s6], $0xF7A  }
0x23: {  	s9 =	sor.u32 $0xD0000000, s2;
	s6 =	simm.s32 $0x108;
	_ =	swait.ge @!p0 [sflag:s8], $0x0  }
0x24: {  	s3 =	sadd.s32 $0x88, s3;
	s6 =	simm.s32 @!p1 $0x1082;
	[sflag:s4] =	ssyncset.s32 $0xFFFFF086  }
0x25: {  	[simem:s6], [sflag:s4] =	dma.local [hbm:s3], $0xF7A  }
0x26: {  	[smem:$0x3F9A] =	sst s1;
	(tag) =	ssettag s2;
	_ =	strace s9  }
0x27: {  	s1 =	sld [smem:$0x3FAA]  }
0x28: {  	s2 =	sld [smem:$0x3FAB]  }
0x29: {  	s4 =	sld [smem:$0x3FAD]  }
0x2a: {  	p0 =	seq.s32 s5, $0x0;
	s5 =	sld [smem:$0x3FAE]  }
0x2b: {  	s6 =	sld [smem:$0x3FAF]  }
0x2c: {  	s7 =	sld [smem:$0x3FB0]  }
0x2d: {  	s3 =	simm.s32 $0x108;
	s8 =	sld [smem:$0x3FB1]  }
0x2e: {  	s3 =	simm.s32 @!p0 $0x1082;
	s9 =	sld [smem:$0x3FB2]  }
0x2f: {  	lr =	sadd.s32 s0, s3;
	s0 =	sld [smem:$0x3FA9]  }
0x30: {  	s3 =	sld [smem:$0x3FAC]  }
0x31: {  	[smem:$0x3FB5] =	sst s10  }
0x32: {  	s10 =	sld [smem:$0x3FB3];
	_ =	sdelay $0x3  }
0x33: {  	p0 =	seq.s32 s10, $0x1;
	s10 =	sld [smem:$0x3FB5];
	_ =	sdelay $0x3  }
0x34: {  	[smem:$0x3FB5] =	sst s10  }
0x35: {  	s10 =	sld [smem:$0x3FB4];
	_ =	sdelay $0x3  }
0x36: {  	p1 =	seq.s32 s10, $0x1;
	s10 =	sld [smem:$0x3FB5];
	_ =	sdelay $0x3  }
0x37: {  	[smem:$0x3FB5] =	sst s10  }
0x38: {  	s10 =	sld [smem:$0x3FB6]  }
0x39: {  	_ = 	snop;
	(pc) =	sbr.ind lr, $3  }
0x3a: {  	_ = 	snop  }
0x3b: {  	_ = 	snop  }
0x3c: {  	p2 =	seq.s32 s10, $0x1;
	s10 =	sld [smem:$0x3FB5]  }
0x3d: {  	_ =	shalt  }
0x3e: {  	_ =	shalt  }
0x3f: {  	_ =	shalt  }
0x40: {  	_ =	shalt  }
0x41: {  	_ =	shalt  }
0x42: {  	_ =	shalt  }
0x43: {  	_ =	shalt  }
0x44: {  	_ =	shalt  }
0x45: {  	_ =	shalt  }
0x46: {  	_ =	shalt  }
0x47: {  	_ =	shalt  }
0x48: {  	_ =	shalt  }
0x49: {  	_ =	shalt  }
0x4a: {  	_ =	shalt  }
0x4b: {  	_ =	shalt  }
0x4c: {  	_ =	shalt  }
0x4d: {  	_ =	shalt  }
0x4e: {  	_ =	shalt  }
0x4f: {  	_ =	shalt  }
0x50: {  	_ =	shalt  }
0x51: {  	_ =	shalt  }
0x52: {  	_ =	shalt  }
0x53: {  	_ =	shalt  }
0x54: {  	_ =	shalt  }
0x55: {  	_ =	shalt  }
0x56: {  	_ =	shalt  }
0x57: {  	_ =	shalt  }
0x58: {  	_ =	shalt  }
0x59: {  	_ =	shalt  }
0x5a: {  	_ =	shalt  }
0x5b: {  	_ =	shalt  }
0x5c: {  	_ =	shalt  }
0x5d: {  	_ =	shalt  }
0x5e: {  	_ =	shalt  }
0x5f: {  	_ =	shalt  }
0x60: {  	_ =	shalt  }
0x61: {  	_ =	shalt  }
0x62: {  	_ =	shalt  }
0x63: {  	_ =	shalt  }
0x64: {  	_ =	shalt  }
0x65: {  	_ =	shalt  }
0x66: {  	_ =	shalt  }
0x67: {  	_ =	shalt  }
0x68: {  	_ =	shalt  }
0x69: {  	_ =	shalt  }
0x6a: {  	_ =	shalt  }
0x6b: {  	_ =	shalt  }
0x6c: {  	_ =	shalt  }
0x6d: {  	_ =	shalt  }
0x6e: {  	_ =	shalt  }
0x6f: {  	_ =	shalt  }
0x70: {  	_ =	shalt  }
0x71: {  	_ =	shalt  }
0x72: {  	_ =	shalt  }
0x73: {  	_ =	shalt  }
0x74: {  	_ =	shalt  }
0x75: {  	_ =	shalt  }
0x76: {  	_ =	shalt  }
0x77: {  	_ =	shalt  }
0x78: {  	_ =	shalt  }
0x79: {  	_ =	shalt  }
0x7a: {  	_ =	shalt  }
0x7b: {  	_ =	shalt  }
0x7c: {  	_ =	shalt  }
0x7d: {  	_ =	shalt  }
0x7e: {  	_ =	shalt  }
0x7f: {  	_ =	shalt  }
0x80: {  	_ =	shalt  }
0x81: {  	_ =	shalt  }
0x82: {  	_ =	shalt  }
0x83: {  	_ =	shalt  }
0x84: {  	_ =	shalt  }
0x85: {  	_ =	shalt  }
0x86: {  	_ =	shalt  }
0x87: {  	_ =	shalt  }
.Lfunc_end0:
.L_simem_size_0:
called_computation_lowered:
.L_overlay_start_0:
0x88: {  	s2 =	sld [smem:$0x3FD9]  }
0x89: {  	s3 =	sld [smem:$0x3FFE];
	_ =	sdelay $0x1  }
0x8a: {  	s1 =	srdreg.scid  }
0x8b: {  	s0 =	sand.u32 $0x1, s1  }
0x8c: {  	s18 =	sshll.u32 s0, $0xA;
	s2 =	sadd.s32 s3, s2  }
0x8d: {  	s2 =	sadd.s32 s2, s18  }
0x8e: {  	[smem:$0x3FC1] =	sst s2  }
0x8f: {  	_ = 	snop  }
0x90: {  	s2 =	sld [smem:$0x3FC9]  }
0x91: {  	s19 =	sld [smem:$0x3FC7]  }
0x92: {  	s4 =	sld [smem:$0x3FD0];
	(tm) =	ssettm $0x1  }
0x93: {  	s5 =	sld [smem:$0x3FFB];
	_ =	sdelay $0x3  }
0x94: {  	_ =	strace s5  }
0x95: {  	s5 =	sld [smem:$0x3FFC];
	_ =	sdelay $0x3  }
0x96: {  	_ =	strace s5  }
0x97: {  	s5 =	sld [smem:$0x3FFD];
	_ =	sdelay $0x3  }
0x98: {  	_ =	strace s5  }
0x99: {  	_ =	strace $0x8FFFFFFF  }
0x9a: {  	s20 =	sld [smem:$0x3FDB];
	_ =	sdelay $0x1  }
0x9b: {  	s6 =	simm.s32 $_scs_section_size  }
0x9c: {  	s7 =	simm.s32 $_size__tile_overlayer_lowered;
	s8 =	simm.s32 $_tile_overlayer_lowered  }
0x9d: {  	s23 =	simm.s32 $0x1BFF;
	s22 =	sshll.u32 s8, $0x1;
	s5 =	sadd.s32 s6, s20  }
0x9e: {  	s9 =	simm.s32 $0x0;
	s21 =	sshll.u32 s7, $0x1;
	s7 =	sadd.s32 s22, s5  }
0x9f: {  	[timem:s9], [sflag:s23] =	dma.local [hbm:s7], s21  }
0xa0: {  	_ =	swait.ge [sflag:s23], s21  }
0xa1: {  	s6 =	ssub.s32 $0x0, s21;
	[sflag:s23] =	ssyncset.done $0x0  }
0xa2: {  	[sflag:s23] =	ssyncadd.s32 s6;
	_ =	sdelay $0x1  }
0xa3: {  	s24 =	simm.s32 $0x1B8B  }
0xa4: {  	_ =	swait.ge [sflag:s24], $0x1  }
0xa5: {  	[sflag:s24] =	ssyncset.done $0x0  }
0xa6: {  	s25 =	simm.s32 $0x1B8E;
	[sflag:s24] =	ssyncadd.s32 $0xFFFFFFFF  }
0xa7: {  	s26 =	simm.s32 $execute0_lowered;
	[smem:$0x3FD2] =	sst s25  }
0xa8: {  	s6 =	sshll.u32 s26, $0x1;
	_ =	strace $0x80000046;
	[dreg:$0x1] =	wrdreg $0xFFFFFFFF  }
0xa9: {  	s28 =	simm.s32 $_size_execute0_lowered;
	s5 =	sadd.s32 s5, s6;
	[dreg:$0x0] =	wrdreg $0x0  }
0xaa: {  	s6 =	sshll.u32 s28, $0x1;
	[dreg:$0x2] =	wrdreg s5  }
0xab: {  	[dreg:$0x3] =	wrdreg s6  }
0xac: {  	[dreg:$0x4] =	wrdreg $0xC0  }
0xad: {  	_ =	task [dreg:s9], $0x5FFFF  }
0xae: {  	[dreg:$0x1] =	wrdreg $0xFFFFFFFF  }
0xaf: {  	[dreg:$0x0] =	wrdreg $0x60  }
0xb0: {  	[dreg:$0x2] =	wrdreg s2  }
0xb1: {  	[dreg:$0x3] =	wrdreg s19  }
0xb2: {  	[dreg:$0x4] =	wrdreg s4  }
0xb3: {  	[dreg:$0x5] =	wrdreg $0x9  }
0xb4: {  	_ =	task.clear_ibuf [dreg:s9], $0x6FFFF;
	_ =	strace $0x90000046  }
0xb5: {  	s29 =	simm.s32 $0x9;
	_ =	strace $0x80000048  }
0xb6: {  	_ =	swait.ge [sflag:s29], $0x1  }
0xb7: {  	[sflag:s29] =	ssyncadd.s32 $0xFFFFFFFF  }
0xb8: {  	_ =	strace $0x90000048  }
0xb9: {  	_ =	sfence  }
0xba: {  	s30 =	sld [smem:$0x0];
	_ =	sdelay $0x2  }
0xbb: {  	s31 =	sshll.u32 s1, $0xD;
	s1 =	sshrl.u32 s1, $0x2  }
0xbc: {  	s3 =	sand.u32 $0x4000, s31;
	s1 =	sadd.s32 s1, s30  }
0xbd: {  	s0 =	sor.u32 s3, s0;
	s1 =	sshll.u32 s1, $0x11  }
0xbe: {  	s0 =	sor.u32 s1, s0  }
0xbf: {  	s0 =	sadd.s32 $0x8F2B, s0  }
0xc0: {  	[sflag:s0] =	ssyncadd.remote.s32 $0x1  }
0xc1: {  	_ =	sfence.sel $0xFFFF  }
0xc2: {  	[dreg:$0x0] =	wrdreg $0xFFFFFFFF;
	(pc) =	sbr.abs _section_cstart, $3  }
0xc3: {  	[dreg:$0x1] =	wrdreg $0xFFFFFFFF  }
0xc4: {  	_ =	task.clear_ibuf [dreg:s9], $0x2FFFF;
	_ =	strace $0x9FFFFFFF  }
0xc5: {  	(tm) =	ssettm $0x7FFFFFFF  }
tec
execute0_lowered:
.L_overlay_start_1:
0x0: {  	(tag) =	ssettag $0x1  }
0x1: {  	s0 =	srdreg.scid  }
0x2: {  	s7 =	sand.u32 $0x1, s0;
	s0 =	stileid.u32  }
0x3: {  	s5 =	sshll.u32 s0, $0x1;
	s6 =	ssub.s32 $0x0, s7  }
0x4: {  	p0 =	sne.s32 s5, s6  }
.Ltmp0:
0x5: {  	_ = 	snop;
	(pc) =	sbr.rel @p0 .LBB2_4-.Ltmp0, $4  }
0x6: {  	s2 =	rddreg [dreg:$0x0]  }
0x7: {  	s3 =	rddreg [dreg:$0x1]  }
0x8: {  	s4 =	rddreg [dreg:$0x2]  }
0x9: {  	s1 =	rddreg [dreg:$0x3];
	_ =	strace $0x80000047  }
0xa: {  	s6 =	simm.s32 $0x0;
	s5 =	simm.s32 $0x2;
	s9 =	ssub.s32 $0x2, s7  }
0xb: {  	[tilespmem:s6], [sflag:$0x2] =	stream.linear.gather [hbm4b:s2+s6], $0x80, $0x38;
	[tilespmem:$0x100] =	vst v63  }
0xc: {  	s10 =	sshrl.u32 s9, $0x1;
	_ =	swait.ge [sflag:s5], $0x80  }
0xd: {  	s7 =	simm.s32 $0x1;
	s9 =	ssub.s32 s9, s10;
	[sflag:s5] =	ssyncset.done $0x0  }
0xe: {  	s8 =	simm.s32 $0x80;
	s9 =	smax.u32 s9, $0x1;
	[sflag:s5] =	ssyncadd.s32 $0xFFFFFF80  }
0xf: {  	[tilespmem:s8], [sflag:$0x1] =	stream.indirect.gather [hbm4b:s3+s7], $0x80, s6, s7, $0xb8;
	[tilespmem:$0x100] =	vst v63  }
0x10: {  	p0 =	sne.s32 s9, $0x1;
	_ =	swait.ge [sflag:s7], $0x80  }
.Ltmp1:
0x11: {  	[sflag:s7] =	ssyncset.done $0x0;
	(pc) =	sbr.rel @!p0 .LBB2_3-.Ltmp1, $4  }
0x12: {  	[sflag:s7] =	ssyncadd.s32 $0xFFFFFF80  }
0x13: {  	[hbm4b:s4+s6] =	stream.linear.scatter [tilespmem:s8], [sflag:$0x2], $0x80, $0x38;
	[tilespmem:$0x100] =	vst v63  }
0x14: {  	_ =	swait.ge [sflag:s5], $0x80  }
0x15: {  	s9 =	sadd.s32 $0xFFFFFFFF, s9;
	[sflag:s5] =	ssyncset.done $0x0  }
.LBB2_2:
0x16: {  	p0 =	sne.s32 s9, $0x1;
	s9 =	sadd.s32 $0xFFFFFFFF, s9;
	[sflag:s5] =	ssyncadd.s32 $0xFFFFFF80  }
0x17: {  	[tilespmem:s6], [sflag:$0x2] =	stream.linear.gather [hbm4b:s2+s6], $0x80, $0x38;
	[tilespmem:$0x100] =	vst v63  }
0x18: {  	_ =	swait.ge [sflag:s5], $0x80  }
0x19: {  	[sflag:s5] =	ssyncset.done $0x0  }
0x1a: {  	[sflag:s5] =	ssyncadd.s32 $0xFFFFFF80  }
0x1b: {  	[tilespmem:s8], [sflag:$0x1] =	stream.indirect.gather [hbm4b:s3+s7], $0x80, s6, s7, $0xb8;
	[tilespmem:$0x100] =	vst v63  }
0x1c: {  	_ =	swait.ge [sflag:s7], $0x80  }
.Ltmp2:
0x1d: {  	[sflag:s7] =	ssyncset.done $0x0;
	(pc) =	sbr.rel @p0 .LBB2_2-.Ltmp2, $4  }
0x1e: {  	[sflag:s7] =	ssyncadd.s32 $0xFFFFFF80  }
0x1f: {  	[hbm4b:s4+s6] =	stream.linear.scatter [tilespmem:s8], [sflag:$0x2], $0x80, $0x38;
	[tilespmem:$0x100] =	vst v63  }
0x20: {  	_ =	swait.ge [sflag:s5], $0x80  }
0x21: {  	[sflag:s5] =	ssyncset.done $0x0  }
.LBB2_3:
0x22: {  	[sflag:s5] =	ssyncadd.s32 $0xFFFFFF80  }
.LBB2_4:
0x23: {  	_ =	sfence.sel $0x180000  }
0x24: {  	[bflag:$0x0] =	sbarrier.arrive $0xFFFF  }
0x25: {  	p0 =	sne.s32 s0, $0x0;
	_ =	strace $0x90000047  }
0x26: {  	s0 =	sadd.s32 @!p0 $0x100000, s1;
	[bflag:$0x2] =	sbarrier.arrive $0xFFFF  }
0x27: {  	[sflag:s0] =	ssyncadd.tile.s32 @!p0 $0x1;
	_ =	shalt  }
.Lfunc_end2:
_tile_overlayer_lowered:
.L_overlay_start_2:
0x28: {  	(tag) =	ssettag $0x2  }
0x29: {  	s0 =	rddreg [dreg:$0x0];
	s2 =	stileid.u32  }
0x2a: {  	s1 =	rddreg [dreg:$0x1];
	p0 =	sne.s32 s2, $0x0  }
0x2b: {  	s3 =	rddreg [dreg:$0x2];
	[bflag:$0x3] =	sbarrier.arrive $0xFFFF;
	s2 =	simm.s32 @!p0 $0x1C02  }
0x2c: {  	[timem:s3], [sflag:s2] =	dma.local @!p0 [hbm:s0], s1  }
0x2d: {  	s0 =	simm.s32 @!p0 $0x2  }
0x2e: {  	_ =	swait.ge @!p0 [sflag:s0], s1  }
0x2f: {  	s1 =	ssub.s32 @!p0 $0x0, s1;
	[sflag:s0] =	ssyncset.done @!p0 $0x0  }
0x30: {  	[sflag:s0] =	ssyncadd.s32 @!p0 s1  }
0x31: {  	[bflag:$0x3] =	sbarrier.arrive $0xFFFF  }
0x32: {  	_ =	shalt  }

</sc_bundles>
